<compile_context>
chip_gen: v7x
topology: tpu7x:2x2x1
jax: 0.10.2.dev20260603
libtpu: 0.0.44.dev20260713+nightly
codegen_flags: <defaults>
</compile_context>

<pallas_src>
import functools

import jax
import jax.numpy as jnp
import numpy as np
from jax import lax
from jax.experimental import pallas as pl
from jax.experimental.pallas import tpu as pltpu
from jax.experimental.pallas import tpu_sc as plsc

B = 4096
F = 26
V = 100000
D = 64
DENSE = 13
H1 = 1024
H2 = 512

_N = B * F
_NW = 16
_PER_W = _N // _NW
_CHUNK = 128
_NCHUNK = _PER_W // _CHUNK


def _gather_rows(flat_tables, flat_idx):
    mesh = plsc.VectorSubcoreMesh(core_axis_name="c", subcore_axis_name="s", num_cores=1)

    @functools.partial(
        pl.kernel,
        out_type=jax.ShapeDtypeStruct((_N, D), jnp.float32),
        mesh=mesh,
        scratch_types=[
            pltpu.VMEM((_PER_W,), jnp.int32),
            pltpu.VMEM((2, _CHUNK, D), jnp.float32),
            pltpu.SemaphoreType.DMA((2,)),
        ],
        compiler_params=pltpu.CompilerParams(use_tc_tiling_on_sc=False),
    )
    def gather_kernel(tab_hbm, idx_hbm, out_hbm, idx_v, buf, sem):
        wid = lax.axis_index("s")
        base = wid * _PER_W
        pltpu.sync_copy(idx_hbm.at[pl.ds(base, _PER_W)], idx_v)

        pltpu.async_copy(
            tab_hbm.at[idx_v.at[pl.ds(0, _CHUNK)]], buf.at[0], sem.at[0]
        )

        def body(c, carry):
            slot = lax.rem(c, 2)
            nxt = lax.rem(c + 1, 2)

            @pl.when(c + 1 < _NCHUNK)
            def _():
                pltpu.async_copy(
                    tab_hbm.at[idx_v.at[pl.ds((c + 1) * _CHUNK, _CHUNK)]],
                    buf.at[nxt], sem.at[nxt],
                )

            pltpu.make_async_copy(
                tab_hbm.at[pl.ds(0, _CHUNK)], buf.at[slot], sem.at[slot]
            ).wait()
            pltpu.sync_copy(
                buf.at[slot], out_hbm.at[pl.ds(base + c * _CHUNK, _CHUNK)]
            )
            return carry

        lax.fori_loop(0, _NCHUNK, body, 0)

    return gather_kernel(flat_tables, flat_idx)


_BB = 512


def _mlp_body(x_ref, dense_ref, w1_ref, w1d_ref, b1_ref, w2_ref, b2_ref,
              w3_ref, b3_ref, out_ref):
    h = jnp.dot(x_ref[...].astype(jnp.bfloat16), w1_ref[...],
                preferred_element_type=jnp.float32)
    h = h + jnp.dot(dense_ref[...], w1d_ref[...],
                    preferred_element_type=jnp.float32)
    h = jnp.maximum(h + b1_ref[...], 0.0).astype(jnp.bfloat16)
    h2 = jnp.dot(h, w2_ref[...], preferred_element_type=jnp.float32)
    h2 = jnp.maximum(h2 + b2_ref[...], 0.0)
    logit = jnp.sum(h2 * w3_ref[...], axis=1, keepdims=True) + b3_ref[...]
    out_ref[...] = jax.nn.sigmoid(logit)


def _mlp(x, dense, W1a, W1d, b1, W2, b2, w3row, b3):
    return pl.pallas_call(
        _mlp_body,
        grid=(B // _BB,),
        in_specs=[
            pl.BlockSpec((_BB, F * D), lambda i: (i, 0)),
            pl.BlockSpec((_BB, DENSE), lambda i: (i, 0)),
            pl.BlockSpec((F * D, H1), lambda i: (0, 0)),
            pl.BlockSpec((DENSE, H1), lambda i: (0, 0)),
            pl.BlockSpec((1, H1), lambda i: (0, 0)),
            pl.BlockSpec((H1, H2), lambda i: (0, 0)),
            pl.BlockSpec((1, H2), lambda i: (0, 0)),
            pl.BlockSpec((1, H2), lambda i: (0, 0)),
            pl.BlockSpec((1, 1), lambda i: (0, 0)),
        ],
        out_specs=pl.BlockSpec((_BB, 1), lambda i: (i, 0)),
        out_shape=jax.ShapeDtypeStruct((B, 1), jnp.float32),
    )(x, dense, W1a, W1d, b1, W2, b2, w3row, b3)


def kernel(sparse_ids, dense_feats, tables, W1, b1, W2, b2, W3, b3):
    flat_tables = tables.reshape(F * V, D)
    offs = (jnp.arange(F, dtype=jnp.int32) * V)[None, :]
    flat_idx = (sparse_ids.astype(jnp.int32) + offs).reshape(_N)

    x = _gather_rows(flat_tables, flat_idx).reshape(B, F * D)

    W1a = W1[:F * D].astype(jnp.bfloat16)
    W1d = W1[F * D:]
    W2b = W2.astype(jnp.bfloat16)

    return _mlp(x, dense_feats, W1a, W1d, b1.reshape(1, H1), W2b,
                b2.reshape(1, H2), W3.reshape(1, H2), b3.reshape(1, 1))

# --- scband reference (transcript-rebuilt; emitter-appended) ---
"""Pipeline reference for scband-m-11879879541670 (READ-ONLY COPY).

The authoritative reference and input builder live on the scoring server;
editing this copy changes nothing except your own understanding.
"""

import jax, jax.numpy as jnp
import numpy as np

B = 4096
F = 26
V = 100000
D = 64
DENSE = 13
H1 = 1024
H2 = 512


def setup_inputs(seed: int = 0) -> dict:
    key = jax.random.key(seed)
    ks = jax.random.split(key, 10)
    sparse_ids = jax.random.randint(ks[0], (B, F), 0, V, dtype=jnp.int64 if jax.config.jax_enable_x64 else jnp.int32)
    dense_feats = jax.random.normal(ks[1], (B, DENSE), dtype=jnp.float32)
    # one embedding table per sparse field, stacked: [F, V, D]
    tables = jax.random.normal(ks[2], (F, V, D), dtype=jnp.float32) * 0.01
    in_dim = F * D + DENSE
    W1 = jax.random.normal(ks[3], (in_dim, H1), dtype=jnp.float32) * (1.0 / np.sqrt(in_dim))
    b1 = jnp.zeros((H1,), dtype=jnp.float32)
    W2 = jax.random.normal(ks[4], (H1, H2), dtype=jnp.float32) * (1.0 / np.sqrt(H1))
    b2 = jnp.zeros((H2,), dtype=jnp.float32)
    W3 = jax.random.normal(ks[5], (H2, 1), dtype=jnp.float32) * (1.0 / np.sqrt(H2))
    b3 = jnp.zeros((1,), dtype=jnp.float32)
    return {
        'sparse_ids': sparse_ids,
        'dense_feats': dense_feats,
        'tables': tables,
        'W1': W1, 'b1': b1,
        'W2': W2, 'b2': b2,
        'W3': W3, 'b3': b3,
    }


def reference(sparse_ids, dense_feats, tables, W1, b1, W2, b2, W3, b3):
    # DenseFeatures: per-field embedding lookup + concat with numeric columns
    emb = tables[jnp.arange(F)[None, :], sparse_ids]  # [B, F, D] gather
    feat = jnp.concatenate([emb.reshape(B, F * D), dense_feats], axis=1)  # [B, F*D + DENSE]
    # prediction head (MLP + sigmoid)
    h = jax.nn.relu(feat @ W1 + b1)
    h = jax.nn.relu(h @ W2 + b2)
    logit = h @ W3 + b3
    prediction = jax.nn.sigmoid(logit)
    return prediction

if __name__ == "__main__":
    import jax
    _d = setup_inputs()
    print(jax.jit(kernel)(*tuple(_d.values())))

</pallas_src>

<mosaic_0001>
#map = affine_map<(d0, d1) -> (0, 0)>
#map1 = affine_map<(d0, d1) -> (0)>
module attributes {stable_mosaic.version = 14 : i64} {
  func.func @gather_kernel(%arg0: i32, %arg1: i32, %arg2: memref<2600000x64xf32, #tpu.memory_space<hbm>>, %arg3: memref<106496xi32, #tpu.memory_space<hbm>>, %arg4: memref<106496x64xf32, #tpu.memory_space<hbm>>, %arg5: memref<6656xi32, #tpu.memory_space<vmem>>, %arg6: memref<2x128x64xf32, #tpu.memory_space<vmem>>, %arg7: memref<2x!tpu.dma_semaphore, #tpu.memory_space<semaphore_mem>>) attributes {dimension_semantics = [#tpu.dimension_semantics<core_parallel>, #tpu.dimension_semantics<subcore_parallel>], iteration_bounds = array<i64: 1, 16>, scalar_prefetch = 0 : i64, scratch_operands = 3 : i64, tpu.core_type = #tpu.core_type<sc_vector_subcore>, window_params = [{transform_indices = #map}, {transform_indices = #map1}, {transform_indices = #map}]} {
    %mul3A = arith.constant 6656 : i32
    %mul3A_0 = arith.muli %arg1, %mul3A : i32
    "tpu.region"() ({
      %run_scoped3A = tpu.sem_alloc : memref<!tpu.dma_semaphore, #tpu.memory_space<semaphore_mem>>
      %dma_start3A_18 = tpu.memref_slice %arg3[%mul3A_0] : memref<106496xi32, #tpu.memory_space<hbm>> -> memref<6656xi32, #tpu.memory_space<hbm>>
      %dma_start3A_19 = tpu.memref_slice %arg3[%mul3A_0] : memref<106496xi32, #tpu.memory_space<hbm>> -> memref<6656xi32, #tpu.memory_space<hbm>>
      tpu.enqueue_dma source(%dma_start3A_19 : memref<6656xi32, #tpu.memory_space<hbm>>) target(%arg5 : memref<6656xi32, #tpu.memory_space<vmem>>) target_semaphore(%run_scoped3A : memref<!tpu.dma_semaphore, #tpu.memory_space<semaphore_mem>>)
      %dma_wait3A = tpu.memref_slice %arg3[%mul3A_0] : memref<106496xi32, #tpu.memory_space<hbm>> -> memref<6656xi32, #tpu.memory_space<hbm>>
      %dma_wait3A_20 = tpu.memref_slice %arg3[%mul3A_0] : memref<106496xi32, #tpu.memory_space<hbm>> -> memref<6656xi32, #tpu.memory_space<hbm>>
      tpu.wait_dma2 semaphore(%run_scoped3A : memref<!tpu.dma_semaphore, #tpu.memory_space<semaphore_mem>>) src(%dma_wait3A_20 : memref<6656xi32, #tpu.memory_space<hbm>>) dst(%arg5 : memref<6656xi32, #tpu.memory_space<vmem>>)
      tpu.yield
    }) : () -> ()
    %dma_start3A = arith.constant 0 : i32
    %dma_start3A_1 = arith.constant 0 : i32
    %dma_start3A_2 = arith.constant 0 : i32
    %dma_start3A_3 = arith.constant 0 : i32
    %dma_start3A_4 = tpu.memref_slice %arg6[%dma_start3A, %dma_start3A_2, %dma_start3A_3] : memref<2x128x64xf32, #tpu.memory_space<vmem>> -> memref<1x128x64xf32, #tpu.memory_space<vmem>>
    %dma_start3A_5 = tpu.memref_squeeze %dma_start3A_4 : memref<1x128x64xf32, #tpu.memory_space<vmem>> -> memref<128x64xf32, #tpu.memory_space<vmem>>
    %dma_start3A_6 = arith.constant 0 : i32
    %dma_start3A_7 = tpu.memref_slice %arg5[%dma_start3A_6] : memref<6656xi32, #tpu.memory_space<vmem>> -> memref<128xi32, #tpu.memory_space<vmem>>
    %dma_start3A_8 = arith.constant 0 : i32
    %dma_start3A_9 = arith.constant 0 : i32
    %dma_start3A_10 = tpu.memref_slice %arg2[%dma_start3A_8, %dma_start3A_9] : memref<2600000x64xf32, #tpu.memory_space<hbm>> -> memref<2600000x64xf32, #tpu.memory_space<hbm>>
    %dma_start3A_11 = tpu.memref_slice %arg7[%dma_start3A_1] : memref<2x!tpu.dma_semaphore, #tpu.memory_space<semaphore_mem>> -> memref<1x!tpu.dma_semaphore, #tpu.memory_space<semaphore_mem>>
    %dma_start3A_12 = tpu.memref_squeeze %dma_start3A_11 : memref<1x!tpu.dma_semaphore, #tpu.memory_space<semaphore_mem>> -> memref<!tpu.dma_semaphore, #tpu.memory_space<semaphore_mem>>
    tpu.enqueue_indirect_dma source(%dma_start3A_10 : memref<2600000x64xf32, #tpu.memory_space<hbm>>) target(%dma_start3A_5 : memref<128x64xf32, #tpu.memory_space<vmem>>) offsets(%dma_start3A_7 : memref<128xi32, #tpu.memory_space<vmem>>) semaphore(%dma_start3A_12 : memref<!tpu.dma_semaphore, #tpu.memory_space<semaphore_mem>>)
    %scan3A = arith.constant 0 : i32
    %scan3A_13 = arith.constant 0 : i32
    %scan3A_14 = arith.constant 52 : i32
    %scan3A_15 = arith.addi %scan3A_13, %scan3A_14 : i32
    %scan3A_16 = arith.constant 1 : i32
    scf.for %scan3A_18 = %scan3A_13 to %scan3A_15 step %scan3A_16  : i32 {
      %rem3A = arith.constant 2 : i32
      %rem3A_19 = arith.remsi %scan3A_18, %rem3A : i32
      %add3A = arith.constant 1 : i32
      %add3A_20 = arith.addi %scan3A_18, %add3A : i32
      %rem3A_21 = arith.constant 2 : i32
      %rem3A_22 = arith.remsi %add3A_20, %rem3A_21 : i32
      %add3A_23 = arith.constant 1 : i32
      %add3A_24 = arith.addi %scan3A_18, %add3A_23 : i32
      %lt3A = arith.constant 52 : i32
      %lt3A_25 = arith.cmpi slt, %add3A_24, %lt3A : i32
      %convert_element_type3A = arith.extui %lt3A_25 : i1 to i32
      %cond3A = arith.constant 0 : i32
      %cond3A_26 = arith.cmpi ne, %convert_element_type3A, %cond3A : i32
      scf.if %cond3A_26 {
        %add3A_45 = arith.constant 1 : i32
        %add3A_46 = arith.addi %scan3A_18, %add3A_45 : i32
        %mul3A_47 = arith.constant 128 : i32
        %mul3A_48 = arith.muli %add3A_46, %mul3A_47 : i32
        %dma_start3A_49 = arith.constant 0 : i32
        %dma_start3A_50 = arith.constant 0 : i32
        %dma_start3A_51 = tpu.memref_slice %arg6[%rem3A_22, %dma_start3A_49, %dma_start3A_50] : memref<2x128x64xf32, #tpu.memory_space<vmem>> -> memref<1x128x64xf32, #tpu.memory_space<vmem>>
        %dma_start3A_52 = tpu.memref_squeeze %dma_start3A_51 : memref<1x128x64xf32, #tpu.memory_space<vmem>> -> memref<128x64xf32, #tpu.memory_space<vmem>>
        %dma_start3A_53 = tpu.memref_slice %arg5[%mul3A_48] : memref<6656xi32, #tpu.memory_space<vmem>> -> memref<128xi32, #tpu.memory_space<vmem>>
        %dma_start3A_54 = arith.constant 0 : i32
        %dma_start3A_55 = arith.constant 0 : i32
        %dma_start3A_56 = tpu.memref_slice %arg2[%dma_start3A_54, %dma_start3A_55] : memref<2600000x64xf32, #tpu.memory_space<hbm>> -> memref<2600000x64xf32, #tpu.memory_space<hbm>>
        %dma_start3A_57 = tpu.memref_slice %arg7[%rem3A_22] : memref<2x!tpu.dma_semaphore, #tpu.memory_space<semaphore_mem>> -> memref<1x!tpu.dma_semaphore, #tpu.memory_space<semaphore_mem>>
        %dma_start3A_58 = tpu.memref_squeeze %dma_start3A_57 : memref<1x!tpu.dma_semaphore, #tpu.memory_space<semaphore_mem>> -> memref<!tpu.dma_semaphore, #tpu.memory_space<semaphore_mem>>
        tpu.enqueue_indirect_dma source(%dma_start3A_56 : memref<2600000x64xf32, #tpu.memory_space<hbm>>) target(%dma_start3A_52 : memref<128x64xf32, #tpu.memory_space<vmem>>) offsets(%dma_start3A_53 : memref<128xi32, #tpu.memory_space<vmem>>) semaphore(%dma_start3A_58 : memref<!tpu.dma_semaphore, #tpu.memory_space<semaphore_mem>>)
      } else {
      }
      %dma_wait3A = arith.constant 0 : i32
      %dma_wait3A_27 = arith.constant 0 : i32
      %dma_wait3A_28 = tpu.memref_slice %arg6[%rem3A_19, %dma_wait3A, %dma_wait3A_27] : memref<2x128x64xf32, #tpu.memory_space<vmem>> -> memref<1x128x64xf32, #tpu.memory_space<vmem>>
      %dma_wait3A_29 = tpu.memref_squeeze %dma_wait3A_28 : memref<1x128x64xf32, #tpu.memory_space<vmem>> -> memref<128x64xf32, #tpu.memory_space<vmem>>
      %dma_wait3A_30 = arith.constant 0 : i32
      %dma_wait3A_31 = arith.constant 0 : i32
      %dma_wait3A_32 = tpu.memref_slice %arg2[%dma_wait3A_30, %dma_wait3A_31] : memref<2600000x64xf32, #tpu.memory_space<hbm>> -> memref<128x64xf32, #tpu.memory_space<hbm>>
      %dma_wait3A_33 = tpu.memref_slice %arg7[%rem3A_19] : memref<2x!tpu.dma_semaphore, #tpu.memory_space<semaphore_mem>> -> memref<1x!tpu.dma_semaphore, #tpu.memory_space<semaphore_mem>>
      %dma_wait3A_34 = tpu.memref_squeeze %dma_wait3A_33 : memref<1x!tpu.dma_semaphore, #tpu.memory_space<semaphore_mem>> -> memref<!tpu.dma_semaphore, #tpu.memory_space<semaphore_mem>>
      %dma_wait3A_35 = arith.constant 0 : i32
      %dma_wait3A_36 = arith.constant 0 : i32
      %dma_wait3A_37 = tpu.memref_slice %arg6[%rem3A_19, %dma_wait3A_35, %dma_wait3A_36] : memref<2x128x64xf32, #tpu.memory_space<vmem>> -> memref<1x128x64xf32, #tpu.memory_space<vmem>>
      %dma_wait3A_38 = tpu.memref_squeeze %dma_wait3A_37 : memref<1x128x64xf32, #tpu.memory_space<vmem>> -> memref<128x64xf32, #tpu.memory_space<vmem>>
      %dma_wait3A_39 = arith.constant 0 : i32
      %dma_wait3A_40 = arith.constant 0 : i32
      %dma_wait3A_41 = tpu.memref_slice %arg2[%dma_wait3A_39, %dma_wait3A_40] : memref<2600000x64xf32, #tpu.memory_space<hbm>> -> memref<128x64xf32, #tpu.memory_space<hbm>>
      tpu.wait_dma2 semaphore(%dma_wait3A_34 : memref<!tpu.dma_semaphore, #tpu.memory_space<semaphore_mem>>) src(%dma_wait3A_41 : memref<128x64xf32, #tpu.memory_space<hbm>>) dst(%dma_wait3A_38 : memref<128x64xf32, #tpu.memory_space<vmem>>)
      %mul3A_42 = arith.constant 128 : i32
      %mul3A_43 = arith.muli %scan3A_18, %mul3A_42 : i32
      %add3A_44 = arith.addi %mul3A_0, %mul3A_43 : i32
      "tpu.region"() ({
        %run_scoped3A = tpu.sem_alloc : memref<!tpu.dma_semaphore, #tpu.memory_space<semaphore_mem>>
        %dma_start3A_45 = arith.constant 0 : i32
        %dma_start3A_46 = arith.constant 0 : i32
        %dma_start3A_47 = tpu.memref_slice %arg6[%rem3A_19, %dma_start3A_45, %dma_start3A_46] : memref<2x128x64xf32, #tpu.memory_space<vmem>> -> memref<1x128x64xf32, #tpu.memory_space<vmem>>
        %dma_start3A_48 = tpu.memref_squeeze %dma_start3A_47 : memref<1x128x64xf32, #tpu.memory_space<vmem>> -> memref<128x64xf32, #tpu.memory_space<vmem>>
        %dma_start3A_49 = arith.constant 0 : i32
        %dma_start3A_50 = tpu.memref_slice %arg4[%add3A_44, %dma_start3A_49] : memref<106496x64xf32, #tpu.memory_space<hbm>> -> memref<128x64xf32, #tpu.memory_space<hbm>>
        %dma_start3A_51 = arith.constant 0 : i32
        %dma_start3A_52 = tpu.memref_slice %arg4[%add3A_44, %dma_start3A_51] : memref<106496x64xf32, #tpu.memory_space<hbm>> -> memref<128x64xf32, #tpu.memory_space<hbm>>
        %dma_start3A_53 = arith.constant 0 : i32
        %dma_start3A_54 = arith.constant 0 : i32
        %dma_start3A_55 = tpu.memref_slice %arg6[%rem3A_19, %dma_start3A_53, %dma_start3A_54] : memref<2x128x64xf32, #tpu.memory_space<vmem>> -> memref<1x128x64xf32, #tpu.memory_space<vmem>>
        %dma_start3A_56 = tpu.memref_squeeze %dma_start3A_55 : memref<1x128x64xf32, #tpu.memory_space<vmem>> -> memref<128x64xf32, #tpu.memory_space<vmem>>
        tpu.enqueue_dma source(%dma_start3A_56 : memref<128x64xf32, #tpu.memory_space<vmem>>) target(%dma_start3A_52 : memref<128x64xf32, #tpu.memory_space<hbm>>) target_semaphore(%run_scoped3A : memref<!tpu.dma_semaphore, #tpu.memory_space<semaphore_mem>>)
        %dma_wait3A_57 = arith.constant 0 : i32
        %dma_wait3A_58 = arith.constant 0 : i32
        %dma_wait3A_59 = tpu.memref_slice %arg6[%rem3A_19, %dma_wait3A_57, %dma_wait3A_58] : memref<2x128x64xf32, #tpu.memory_space<vmem>> -> memref<1x128x64xf32, #tpu.memory_space<vmem>>
        %dma_wait3A_60 = tpu.memref_squeeze %dma_wait3A_59 : memref<1x128x64xf32, #tpu.memory_space<vmem>> -> memref<128x64xf32, #tpu.memory_space<vmem>>
        %dma_wait3A_61 = arith.constant 0 : i32
        %dma_wait3A_62 = tpu.memref_slice %arg4[%add3A_44, %dma_wait3A_61] : memref<106496x64xf32, #tpu.memory_space<hbm>> -> memref<128x64xf32, #tpu.memory_space<hbm>>
        %dma_wait3A_63 = arith.constant 0 : i32
        %dma_wait3A_64 = tpu.memref_slice %arg4[%add3A_44, %dma_wait3A_63] : memref<106496x64xf32, #tpu.memory_space<hbm>> -> memref<128x64xf32, #tpu.memory_space<hbm>>
        %dma_wait3A_65 = arith.constant 0 : i32
        %dma_wait3A_66 = arith.constant 0 : i32
        %dma_wait3A_67 = tpu.memref_slice %arg6[%rem3A_19, %dma_wait3A_65, %dma_wait3A_66] : memref<2x128x64xf32, #tpu.memory_space<vmem>> -> memref<1x128x64xf32, #tpu.memory_space<vmem>>
        %dma_wait3A_68 = tpu.memref_squeeze %dma_wait3A_67 : memref<1x128x64xf32, #tpu.memory_space<vmem>> -> memref<128x64xf32, #tpu.memory_space<vmem>>
        tpu.wait_dma2 semaphore(%run_scoped3A : memref<!tpu.dma_semaphore, #tpu.memory_space<semaphore_mem>>) src(%dma_wait3A_68 : memref<128x64xf32, #tpu.memory_space<vmem>>) dst(%dma_wait3A_64 : memref<128x64xf32, #tpu.memory_space<hbm>>)
        tpu.yield
      }) : () -> ()
    }
    %scan3A_17 = arith.constant 52 : i32
    return
  }
}

module attributes {stable_mosaic.version = 14 : i64} {
  func.func @_mlp_body(%arg0: i32, %arg1: memref<512x1664xf32, #tpu.memory_space<vmem>>, %arg2: memref<512x13xf32, #tpu.memory_space<vmem>>, %arg3: memref<1664x1024xbf16, #tpu.memory_space<vmem>>, %arg4: memref<13x1024xf32, #tpu.memory_space<vmem>>, %arg5: memref<1x1024xf32, #tpu.memory_space<vmem>>, %arg6: memref<1024x512xbf16, #tpu.memory_space<vmem>>, %arg7: memref<1x512xf32, #tpu.memory_space<vmem>>, %arg8: memref<1x512xf32, #tpu.memory_space<vmem>>, %arg9: memref<1x1xf32, #tpu.memory_space<vmem>>, %arg10: memref<512x1xf32, #tpu.memory_space<vmem>>) attributes {dimension_semantics = [#tpu.dimension_semantics<arbitrary>], iteration_bounds = array<i64: 8>, scalar_prefetch = 0 : i64, scratch_operands = 0 : i64, tpu.core_type = #tpu.core_type<tc>, window_params = [{transform_indices = @transform_0, window_bounds = array<i64: 512, 1664>}, {transform_indices = @transform_1, window_bounds = array<i64: 512, 13>}, {pipeline_mode = #tpu.pipeline_mode<synchronous>, transform_indices = @transform_2, window_bounds = array<i64: 1664, 1024>}, {pipeline_mode = #tpu.pipeline_mode<synchronous>, transform_indices = @transform_3, window_bounds = array<i64: 13, 1024>}, {pipeline_mode = #tpu.pipeline_mode<synchronous>, transform_indices = @transform_4, window_bounds = array<i64: 1, 1024>}, {pipeline_mode = #tpu.pipeline_mode<synchronous>, transform_indices = @transform_5, window_bounds = array<i64: 1024, 512>}, {pipeline_mode = #tpu.pipeline_mode<synchronous>, transform_indices = @transform_6, window_bounds = array<i64: 1, 512>}, {pipeline_mode = #tpu.pipeline_mode<synchronous>, transform_indices = @transform_7, window_bounds = array<i64: 1, 512>}, {pipeline_mode = #tpu.pipeline_mode<synchronous>, transform_indices = @transform_8, window_bounds = array<i64: 1, 1>}, {transform_indices = @transform_9, window_bounds = array<i64: 512, 1>}]} {
    %get3A = arith.constant 0 : index
    %get3A_0 = arith.constant 0 : index
    %get3A_1 = vector.load %arg1[%get3A, %get3A_0] : memref<512x1664xf32, #tpu.memory_space<vmem>>, vector<512x1664xf32>
    %convert_element_type3A = arith.truncf %get3A_1 : vector<512x1664xf32> to vector<512x1664xbf16>
    %get3A_2 = arith.constant 0 : index
    %get3A_3 = arith.constant 0 : index
    %get3A_4 = vector.load %arg3[%get3A_2, %get3A_3] : memref<1664x1024xbf16, #tpu.memory_space<vmem>>, vector<1664x1024xbf16>
    %dot_general3A = arith.constant dense<0.000000e+00> : vector<512x1024xf32>
    %dot_general3A_5 = tpu.matmul %convert_element_type3A, %get3A_4, %dot_general3A {dimension_numbers = #tpu.dot_dimension_numbers<[1], [0], [0], [1], [0, 0, 1, 1], [], []>, transpose_lhs_hint = false} : vector<512x1664xbf16>, vector<1664x1024xbf16>, vector<512x1024xf32> -> vector<512x1024xf32>
    %get3A_6 = arith.constant 0 : index
    %get3A_7 = arith.constant 0 : index
    %get3A_8 = vector.load %arg2[%get3A_6, %get3A_7] : memref<512x13xf32, #tpu.memory_space<vmem>>, vector<512x13xf32>
    %get3A_9 = arith.constant 0 : index
    %get3A_10 = arith.constant 0 : index
    %get3A_11 = vector.load %arg4[%get3A_9, %get3A_10] : memref<13x1024xf32, #tpu.memory_space<vmem>>, vector<13x1024xf32>
    %dot_general3A_12 = arith.constant dense<0.000000e+00> : vector<512x1024xf32>
    %dot_general3A_13 = tpu.matmul %get3A_8, %get3A_11, %dot_general3A_12 {dimension_numbers = #tpu.dot_dimension_numbers<[1], [0], [0], [1], [0, 0, 1, 1], [], []>, transpose_lhs_hint = false} : vector<512x13xf32>, vector<13x1024xf32>, vector<512x1024xf32> -> vector<512x1024xf32>
    %add3A = arith.addf %dot_general3A_5, %dot_general3A_13 : vector<512x1024xf32>
    %get3A_14 = arith.constant 0 : index
    %get3A_15 = arith.constant 0 : index
    %get3A_16 = vector.load %arg5[%get3A_14, %get3A_15] : memref<1x1024xf32, #tpu.memory_space<vmem>>, vector<1x1024xf32>
    %add3A_17 = vector.broadcast %get3A_16 : vector<1x1024xf32> to vector<512x1024xf32>
    %add3A_18 = arith.addf %add3A, %add3A_17 : vector<512x1024xf32>
    %max3A = arith.constant 0.000000e+00 : f32
    %max3A_19 = vector.broadcast %max3A : f32 to vector<512x1024xf32>
    %max3A_20 = arith.maximumf %add3A_18, %max3A_19 : vector<512x1024xf32>
    %convert_element_type3A_21 = arith.truncf %max3A_20 : vector<512x1024xf32> to vector<512x1024xbf16>
    %get3A_22 = arith.constant 0 : index
    %get3A_23 = arith.constant 0 : index
    %get3A_24 = vector.load %arg6[%get3A_22, %get3A_23] : memref<1024x512xbf16, #tpu.memory_space<vmem>>, vector<1024x512xbf16>
    %dot_general3A_25 = arith.constant dense<0.000000e+00> : vector<512x512xf32>
    %dot_general3A_26 = tpu.matmul %convert_element_type3A_21, %get3A_24, %dot_general3A_25 {dimension_numbers = #tpu.dot_dimension_numbers<[1], [0], [0], [1], [0, 0, 1, 1], [], []>, transpose_lhs_hint = false} : vector<512x1024xbf16>, vector<1024x512xbf16>, vector<512x512xf32> -> vector<512x512xf32>
    %get3A_27 = arith.constant 0 : index
    %get3A_28 = arith.constant 0 : index
    %get3A_29 = vector.load %arg7[%get3A_27, %get3A_28] : memref<1x512xf32, #tpu.memory_space<vmem>>, vector<1x512xf32>
    %add3A_30 = vector.broadcast %get3A_29 : vector<1x512xf32> to vector<512x512xf32>
    %add3A_31 = arith.addf %dot_general3A_26, %add3A_30 : vector<512x512xf32>
    %max3A_32 = arith.constant 0.000000e+00 : f32
    %max3A_33 = vector.broadcast %max3A_32 : f32 to vector<512x512xf32>
    %max3A_34 = arith.maximumf %add3A_31, %max3A_33 : vector<512x512xf32>
    %get3A_35 = arith.constant 0 : index
    %get3A_36 = arith.constant 0 : index
    %get3A_37 = vector.load %arg8[%get3A_35, %get3A_36] : memref<1x512xf32, #tpu.memory_space<vmem>>, vector<1x512xf32>
    %mul3A = vector.broadcast %get3A_37 : vector<1x512xf32> to vector<512x512xf32>
    %mul3A_38 = arith.mulf %max3A_34, %mul3A : vector<512x512xf32>
    %reduce_sum3A = arith.constant dense<0.000000e+00> : vector<512xf32>
    %reduce_sum3A_39 = vector.multi_reduction <add>, %mul3A_38, %reduce_sum3A [1] : vector<512x512xf32> to vector<512xf32>
    %broadcast_in_dim3A = vector.shape_cast %reduce_sum3A_39 : vector<512xf32> to vector<512x1xf32>
    %get3A_40 = arith.constant 0 : index
    %get3A_41 = arith.constant 0 : index
    %get3A_42 = vector.load %arg9[%get3A_40, %get3A_41] : memref<1x1xf32, #tpu.memory_space<vmem>>, vector<1x1xf32>
    %add3A_43 = vector.broadcast %get3A_42 : vector<1x1xf32> to vector<512x1xf32>
    %add3A_44 = arith.addf %broadcast_in_dim3A, %add3A_43 : vector<512x1xf32>
    %logistic3A = arith.negf %add3A_44 : vector<512x1xf32>
    %logistic3A_45 = math.exp %logistic3A : vector<512x1xf32>
    %logistic3A_46 = arith.constant 1.000000e+00 : f32
    %logistic3A_47 = vector.broadcast %logistic3A_46 : f32 to vector<512x1xf32>
    %logistic3A_48 = arith.addf %logistic3A_47, %logistic3A_45 : vector<512x1xf32>
    %logistic3A_49 = arith.divf %logistic3A_47, %logistic3A_48 : vector<512x1xf32>
    %swap3A = arith.constant 0 : index
    %swap3A_50 = arith.constant 0 : index
    %swap3A_51 = vector.load %arg10[%swap3A, %swap3A_50] : memref<512x1xf32, #tpu.memory_space<vmem>>, vector<512x1xf32>
    tpu.vector_store %arg10[%swap3A, %swap3A_50], %logistic3A_49 {strides = array<i32>} : memref<512x1xf32, #tpu.memory_space<vmem>>, vector<512x1xf32>,
    return
  }
  func.func @transform_0(%arg0: i32) -> (i32, i32) {
    %c0_i32 = arith.constant 0 : i32
    %c0_i32_0 = arith.constant 0 : i32
    return %arg0, %c0_i32 : i32, i32
  }
  func.func @transform_1(%arg0: i32) -> (i32, i32) {
    %c0_i32 = arith.constant 0 : i32
    %c0_i32_0 = arith.constant 0 : i32
    return %arg0, %c0_i32 : i32, i32
  }
  func.func @transform_2(%arg0: i32) -> (i32, i32) {
    %c0_i32 = arith.constant 0 : i32
    %c0_i32_0 = arith.constant 0 : i32
    %c0_i32_1 = arith.constant 0 : i32
    return %c0_i32, %c0_i32_0 : i32, i32
  }
  func.func @transform_3(%arg0: i32) -> (i32, i32) {
    %c0_i32 = arith.constant 0 : i32
    %c0_i32_0 = arith.constant 0 : i32
    %c0_i32_1 = arith.constant 0 : i32
    return %c0_i32, %c0_i32_0 : i32, i32
  }
  func.func @transform_4(%arg0: i32) -> (i32, i32) {
    %c0_i32 = arith.constant 0 : i32
    %c0_i32_0 = arith.constant 0 : i32
    %c0_i32_1 = arith.constant 0 : i32
    return %c0_i32, %c0_i32_0 : i32, i32
  }
  func.func @transform_5(%arg0: i32) -> (i32, i32) {
    %c0_i32 = arith.constant 0 : i32
    %c0_i32_0 = arith.constant 0 : i32
    %c0_i32_1 = arith.constant 0 : i32
    return %c0_i32, %c0_i32_0 : i32, i32
  }
  func.func @transform_6(%arg0: i32) -> (i32, i32) {
    %c0_i32 = arith.constant 0 : i32
    %c0_i32_0 = arith.constant 0 : i32
    %c0_i32_1 = arith.constant 0 : i32
    return %c0_i32, %c0_i32_0 : i32, i32
  }
  func.func @transform_7(%arg0: i32) -> (i32, i32) {
    %c0_i32 = arith.constant 0 : i32
    %c0_i32_0 = arith.constant 0 : i32
    %c0_i32_1 = arith.constant 0 : i32
    return %c0_i32, %c0_i32_0 : i32, i32
  }
  func.func @transform_8(%arg0: i32) -> (i32, i32) {
    %c0_i32 = arith.constant 0 : i32
    %c0_i32_0 = arith.constant 0 : i32
    %c0_i32_1 = arith.constant 0 : i32
    return %c0_i32, %c0_i32_0 : i32, i32
  }
  func.func @transform_9(%arg0: i32) -> (i32, i32) {
    %c0_i32 = arith.constant 0 : i32
    %c0_i32_0 = arith.constant 0 : i32
    return %arg0, %c0_i32 : i32, i32
  }
}

</mosaic_0001>

<sc_bundles>
// kernel: kernel.4.cloned.1.call-start
scs
__scs_entry_jumppad:
0x0: {  	(pc) =	sbr.rel $0x88, $3  }
0x1: {  	(tag) =	ssettag $0x0;
	lr =	simm.s32 $0x1  }
0x2: {  	[smem:$0x3F98] =	sst lr;
	_ =	strace $0xD0000000  }
0x3: {  	_ = 	snop  }
0x4: {  	_ = 	snop  }
0x5: {  	_ = 	snop  }
0x6: {  	_ = 	snop  }
0x7: {  	_ = 	snop  }
__scs_overlays_trampoline_lowered:
0x8: {  	[smem:$0x3FA7] =	sst s0  }
0x9: {  	[smem:$0x3FA8] =	sst s1  }
0xa: {  	[smem:$0x3FA9] =	sst s2  }
0xb: {  	[smem:$0x3FAA] =	sst s3  }
0xc: {  	[smem:$0x3FAB] =	sst s4  }
0xd: {  	[smem:$0x3FAC] =	sst s5  }
0xe: {  	[smem:$0x3FAD] =	sst s6  }
0xf: {  	[smem:$0x3FAE] =	sst s7  }
0x10: {  	[smem:$0x3FAF] =	sst s8  }
0x11: {  	[smem:$0x3FB0] =	sst s9;
	s0 =	simm.s32 @!p0 $0x0  }
0x12: {  	s1 =	sld [smem:$0x3F96];
	s0 =	simm.s32 @p0 $0x1  }
0x13: {  	[smem:$0x3FB1] =	sst s0;
	s0 =	simm.s32 @!p1 $0x0  }
0x14: {  	s2 =	sld [smem:$0x3F95];
	s0 =	simm.s32 @p1 $0x1  }
0x15: {  	[smem:$0x3FB2] =	sst s0;
	s0 =	simm.s32 @!p2 $0x0  }
0x16: {  	s3 =	sld [smem:$0x3FDB];
	s0 =	simm.s32 @p2 $0x1  }
0x17: {  	s4 =	simm.s32 $0x1BF5;
	[smem:$0x3FB4] =	sst s0  }
0x18: {  	s0 =	sld [smem:$0x3F97];
	_ =	swait.ge [sflag:s4], $0x0  }
0x19: {  	s7 =	sld [smem:$0x3F98]  }
0x1a: {  	s8 =	sadd.s32 $0xFFFFE003, lr  }
0x1b: {  	s9 =	sadd.s32 $0xFFFFFEF7, lr;
	s5 =	simm.s32 $0xFFFFFFFF;
	p2 =	slt.u32 s8, $0xFFFFF086  }
0x1c: {  	p1 =	slt.u32 s9, $0xF7A;
	s5 =	simm.s32 @!p2 $0x0  }
0x1d: {  	s5 =	simm.s32 @p1 $0x1;
	p0 =	seq.s32 s7, s2  }
0x1e: {  	s7 =	smul.u32 @!p0 $0xF7A, s2;
	p2 =	seq.s32 @!p0 s5, $0x0  }
0x1f: {  	s9 =	smul.u32 $0xF7A, s1;
	s8 =	simm.s32 @!p0 $0x1BF5;
	p2 =	por !p2, p0  }
0x20: {  	[sflag:s8] =	ssyncset.s32 @!p0 $0xFFFFF086;
	s6 =	sadd.s32 @!p0 s3, s7;
	s7 =	simm.s32 @!p0 $0x108  }
0x21: {  	s3 =	sadd.s32 s3, s9;
	s6 =	sadd.s32 @!p0 $0x88, s6;
	s7 =	simm.s32 @p2 $0x1082  }
0x22: {  	[simem:s7], [sflag:s8] =	dma.local @!p0 [hbm:s6], $0xF7A  }
0x23: {  	s9 =	sor.u32 $0xD0000000, s2;
	s6 =	simm.s32 $0x108;
	_ =	swait.ge @!p0 [sflag:s8], $0x0  }
0x24: {  	s3 =	sadd.s32 $0x88, s3;
	s6 =	simm.s32 @!p1 $0x1082;
	[sflag:s4] =	ssyncset.s32 $0xFFFFF086  }
0x25: {  	[simem:s6], [sflag:s4] =	dma.local [hbm:s3], $0xF7A  }
0x26: {  	[smem:$0x3F98] =	sst s1;
	(tag) =	ssettag s2;
	_ =	strace s9  }
0x27: {  	s1 =	sld [smem:$0x3FA8]  }
0x28: {  	s2 =	sld [smem:$0x3FA9]  }
0x29: {  	s4 =	sld [smem:$0x3FAB]  }
0x2a: {  	p0 =	seq.s32 s5, $0x0;
	s5 =	sld [smem:$0x3FAC]  }
0x2b: {  	s6 =	sld [smem:$0x3FAD]  }
0x2c: {  	s7 =	sld [smem:$0x3FAE]  }
0x2d: {  	s3 =	simm.s32 $0x108;
	s8 =	sld [smem:$0x3FAF]  }
0x2e: {  	s3 =	simm.s32 @!p0 $0x1082;
	s9 =	sld [smem:$0x3FB0]  }
0x2f: {  	lr =	sadd.s32 s0, s3;
	s0 =	sld [smem:$0x3FA7]  }
0x30: {  	s3 =	sld [smem:$0x3FAA]  }
0x31: {  	[smem:$0x3FB3] =	sst s10  }
0x32: {  	s10 =	sld [smem:$0x3FB1];
	_ =	sdelay $0x3  }
0x33: {  	p0 =	seq.s32 s10, $0x1;
	s10 =	sld [smem:$0x3FB3];
	_ =	sdelay $0x3  }
0x34: {  	[smem:$0x3FB3] =	sst s10  }
0x35: {  	s10 =	sld [smem:$0x3FB2];
	_ =	sdelay $0x3  }
0x36: {  	p1 =	seq.s32 s10, $0x1;
	s10 =	sld [smem:$0x3FB3];
	_ =	sdelay $0x3  }
0x37: {  	[smem:$0x3FB3] =	sst s10  }
0x38: {  	s10 =	sld [smem:$0x3FB4]  }
0x39: {  	_ = 	snop;
	(pc) =	sbr.ind lr, $3  }
0x3a: {  	_ = 	snop  }
0x3b: {  	_ = 	snop  }
0x3c: {  	p2 =	seq.s32 s10, $0x1;
	s10 =	sld [smem:$0x3FB3]  }
0x3d: {  	_ =	shalt  }
0x3e: {  	_ =	shalt  }
0x3f: {  	_ =	shalt  }
0x40: {  	_ =	shalt  }
0x41: {  	_ =	shalt  }
0x42: {  	_ =	shalt  }
0x43: {  	_ =	shalt  }
0x44: {  	_ =	shalt  }
0x45: {  	_ =	shalt  }
0x46: {  	_ =	shalt  }
0x47: {  	_ =	shalt  }
0x48: {  	_ =	shalt  }
0x49: {  	_ =	shalt  }
0x4a: {  	_ =	shalt  }
0x4b: {  	_ =	shalt  }
0x4c: {  	_ =	shalt  }
0x4d: {  	_ =	shalt  }
0x4e: {  	_ =	shalt  }
0x4f: {  	_ =	shalt  }
0x50: {  	_ =	shalt  }
0x51: {  	_ =	shalt  }
0x52: {  	_ =	shalt  }
0x53: {  	_ =	shalt  }
0x54: {  	_ =	shalt  }
0x55: {  	_ =	shalt  }
0x56: {  	_ =	shalt  }
0x57: {  	_ =	shalt  }
0x58: {  	_ =	shalt  }
0x59: {  	_ =	shalt  }
0x5a: {  	_ =	shalt  }
0x5b: {  	_ =	shalt  }
0x5c: {  	_ =	shalt  }
0x5d: {  	_ =	shalt  }
0x5e: {  	_ =	shalt  }
0x5f: {  	_ =	shalt  }
0x60: {  	_ =	shalt  }
0x61: {  	_ =	shalt  }
0x62: {  	_ =	shalt  }
0x63: {  	_ =	shalt  }
0x64: {  	_ =	shalt  }
0x65: {  	_ =	shalt  }
0x66: {  	_ =	shalt  }
0x67: {  	_ =	shalt  }
0x68: {  	_ =	shalt  }
0x69: {  	_ =	shalt  }
0x6a: {  	_ =	shalt  }
0x6b: {  	_ =	shalt  }
0x6c: {  	_ =	shalt  }
0x6d: {  	_ =	shalt  }
0x6e: {  	_ =	shalt  }
0x6f: {  	_ =	shalt  }
0x70: {  	_ =	shalt  }
0x71: {  	_ =	shalt  }
0x72: {  	_ =	shalt  }
0x73: {  	_ =	shalt  }
0x74: {  	_ =	shalt  }
0x75: {  	_ =	shalt  }
0x76: {  	_ =	shalt  }
0x77: {  	_ =	shalt  }
0x78: {  	_ =	shalt  }
0x79: {  	_ =	shalt  }
0x7a: {  	_ =	shalt  }
0x7b: {  	_ =	shalt  }
0x7c: {  	_ =	shalt  }
0x7d: {  	_ =	shalt  }
0x7e: {  	_ =	shalt  }
0x7f: {  	_ =	shalt  }
0x80: {  	_ =	shalt  }
0x81: {  	_ =	shalt  }
0x82: {  	_ =	shalt  }
0x83: {  	_ =	shalt  }
0x84: {  	_ =	shalt  }
0x85: {  	_ =	shalt  }
0x86: {  	_ =	shalt  }
0x87: {  	_ =	shalt  }
.Lfunc_end0:
.L_simem_size_0:
called_computation_lowered:
.L_overlay_start_0:
0x88: {  	s0 =	sld [smem:$0x3FD9]  }
0x89: {  	s1 =	sld [smem:$0x3FFE];
	_ =	sdelay $0x3  }
0x8a: {  	s0 =	sadd.s32 s1, s0  }
0x8b: {  	[smem:$0x3FBF] =	sst s0  }
0x8c: {  	_ = 	snop  }
0x8d: {  	(tm) =	ssettm $0x1  }
0x8e: {  	s15 =	sld [smem:$0x3FFB];
	_ =	sdelay $0x3  }
0x8f: {  	_ =	strace s15  }
0x90: {  	s0 =	sld [smem:$0x3FFC];
	_ =	sdelay $0x3  }
0x91: {  	_ =	strace s0  }
0x92: {  	s0 =	sld [smem:$0x3FFD];
	_ =	sdelay $0x3  }
0x93: {  	_ =	strace s0  }
0x94: {  	_ =	strace $0x8FFFFFFF  }
0x95: {  	s16 =	sld [smem:$0x3FDB];
	_ =	sdelay $0x1  }
0x96: {  	s17 =	simm.s32 $_scs_section_size  }
0x97: {  	s2 =	simm.s32 $_size__tile_overlayer_lowered;
	s3 =	simm.s32 $_tile_overlayer_lowered  }
0x98: {  	s20 =	simm.s32 $0x1BFF;
	s19 =	sshll.u32 s3, $0x1;
	s0 =	sadd.s32 s17, s16  }
0x99: {  	s4 =	simm.s32 $0x0;
	s18 =	sshll.u32 s2, $0x1;
	s2 =	sadd.s32 s19, s0  }
0x9a: {  	[timem:s4], [sflag:s20] =	dma.local [hbm:s2], s18  }
0x9b: {  	_ =	swait.ge [sflag:s20], s18  }
0x9c: {  	s1 =	ssub.s32 $0x0, s18;
	[sflag:s20] =	ssyncset.done $0x0  }
0x9d: {  	[sflag:s20] =	ssyncadd.s32 s1;
	_ =	sdelay $0x1  }
0x9e: {  	s21 =	simm.s32 $0x1B8B  }
0x9f: {  	_ =	swait.ge [sflag:s21], $0x1  }
0xa0: {  	[sflag:s21] =	ssyncset.done $0x0  }
0xa1: {  	s23 =	simm.s32 $0x1B8E;
	s22 =	sld [smem:$0x3FFE];
	[sflag:s21] =	ssyncadd.s32 $0xFFFFFFFF  }
0xa2: {  	s24 =	simm.s32 $execute0_lowered;
	[smem:$0x3FD2] =	sst s23  }
0xa3: {  	s2 =	sshll.u32 s24, $0x1;
	_ =	strace $0x80000046;
	[dreg:$0x1] =	wrdreg $0xFFFFFFFF  }
0xa4: {  	s25 =	simm.s32 $_size_execute0_lowered;
	s0 =	sadd.s32 s0, s2;
	[dreg:$0x0] =	wrdreg $0x0  }
0xa5: {  	s2 =	sshll.u32 s25, $0x1;
	[dreg:$0x2] =	wrdreg s0  }
0xa6: {  	[dreg:$0x3] =	wrdreg s2  }
0xa7: {  	[dreg:$0x4] =	wrdreg $0xC0  }
0xa8: {  	_ =	task [dreg:s4], $0x5FFFF  }
0xa9: {  	[dreg:$0x1] =	wrdreg $0xFFFFFFFF  }
0xaa: {  	[dreg:$0x0] =	wrdreg $0x60  }
0xab: {  	[dreg:$0x2] =	wrdreg s22  }
0xac: {  	[dreg:$0x3] =	wrdreg $0x9  }
0xad: {  	_ =	task.clear_ibuf [dreg:s4], $0x4FFFF;
	_ =	strace $0x90000046  }
0xae: {  	s26 =	simm.s32 $0x9;
	_ =	strace $0x80000048  }
0xaf: {  	_ =	swait.ge [sflag:s26], $0x1  }
0xb0: {  	[sflag:s26] =	ssyncadd.s32 $0xFFFFFFFF  }
0xb1: {  	_ =	strace $0x90000048  }
0xb2: {  	_ =	sfence  }
0xb3: {  	s28 =	sld [smem:$0x0];
	_ =	sdelay $0x1  }
0xb4: {  	s29 =	srdreg.scid  }
0xb5: {  	s30 =	sshll.u32 s29, $0xD;
	s31 =	sshrl.u32 s29, $0x2  }
0xb6: {  	s1 =	sand.u32 $0x1, s29;
	s2 =	sand.u32 $0x4000, s30;
	s0 =	sadd.s32 s31, s28  }
0xb7: {  	s1 =	sor.u32 s2, s1;
	s0 =	sshll.u32 s0, $0x11  }
0xb8: {  	s0 =	sor.u32 s0, s1  }
0xb9: {  	s0 =	sadd.s32 $0x8F2B, s0  }
0xba: {  	[sflag:s0] =	ssyncadd.remote.s32 $0x1  }
0xbb: {  	_ =	sfence.sel $0xFFFF  }
0xbc: {  	[dreg:$0x0] =	wrdreg $0xFFFFFFFF;
	(pc) =	sbr.abs _section_cstart, $3  }
0xbd: {  	[dreg:$0x1] =	wrdreg $0xFFFFFFFF  }
0xbe: {  	_ =	task.clear_ibuf [dreg:s4], $0x2FFFF;
	_ =	strace $0x9FFFFFFF  }
0xbf: {  	(tm) =	ssettm $0x7FFFFFFF  }
tec
execute0_lowered:
.L_overlay_start_1:
0x0: {  	(tag) =	ssettag $0x1  }
0x1: {  	s0 =	stileid.u32  }
0x2: {  	s3 =	smul.u32 $0x340, s0  }
0x3: {  	s5 =	rddreg [dreg:$0x0];
	s2 =	simm.s32 $0x0  }
0x4: {  	[smem:$0x7FF] =	sst s2;
	s3 =	sadd.s32 s3, s5  }
0x5: {  	s1 =	rddreg [dreg:$0x1];
	_ =	strace $0x80000047;
	s3 =	sadd.s32 $0x1400, s3  }
0x6: {  	[tilespmem:s2], [sflag:$0x3] =	stream.linear.gather [hbm4b:s3+s2], $0x1A00, $0x38;
	[tilespmem:$0x5A00] =	vst v63  }
0x7: {  	s3 =	simm.s32 $0x3  }
0x8: {  	s6 =	simm.s32 $0x80;
	_ =	swait.ge [sflag:s3], $0x1A00  }
0x9: {  	s7 =	simm.s32 $0x1A00;
	s30 =	simm.s32 $0x1;
	[sflag:s3] =	ssyncset.done $0x0  }
0xa: {  	s8 =	simm.s32 $0x0;
	s4 =	sadd.s32 $0x27AD800, s5;
	[sflag:s3] =	ssyncadd.s32 $0xFFFFE600  }
0xb: {  	[tilespmem:s7], [sflag:$0x1] =	stream.indirect.gather [hbm4b:s4+s6], $0x40, s2, s6, $0xb8;
	[tilespmem:$0x5A00] =	vst v63  }
0xc: {  	s11 =	simm.s32 $0x3;
	s8 =	sand.u32 $0x1, s8;
	s7 =	sand.u32 $0x1, s30  }
0xd: {  	s31 =	smul.u32 $0xD000, s0;
	s10 =	sadd.s32 $0x1, s8;
	s9 =	sshll.u32 s7, $0xD  }
0xe: {  	s8 =	sshll.u32 s8, $0xD;
	s7 =	sadd.s32 $0x1, s7;
	s9 =	sor.u32 $0x1A00, s9  }
0xf: {  	[tilespmem:s9], [sflag:s7] =	stream.indirect.gather [hbm4b:s4+s6], $0x40, s6, s6, $0xb8;
	[tilespmem:$0x5A00] =	vst v63  }
0x10: {  	s5 =	sadd.s32 $0x4800, s5;
	s8 =	sor.u32 $0x1A00, s8;
	_ =	swait.ge [sflag:s10], $0x2000  }
0x11: {  	s13 =	sadd.s32 s31, s5;
	s7 =	smul.u32 $0x68000, s0;
	[sflag:s10] =	ssyncset.done $0x0  }
0x12: {  	s9 =	simm.s32 $0x100;
	[sflag:s10] =	ssyncadd.s32 $0xFFFFE000;
	s10 =	simm.s32 $0x2  }
0x13: {  	[hbm4b:s13+s2] =	stream.linear.scatter [tilespmem:s8], [sflag:$0x3], $0x2000, $0x38;
	[tilespmem:$0x5A00] =	vst v63  }
0x14: {  	s12 =	sand.u32 $0x1, s10;
	s8 =	sadd.s32 $0x400, s13;
	_ =	swait.ge [sflag:s3], $0x2000  }
.LBB2_1:
0x15: {  	s13 =	sadd.s32 $0xFFFFFFFF, s10;
	s14 =	sshll.u32 s12, $0xD  }
0x16: {  	[sflag:s3] =	ssyncset.done $0x0;
	s10 =	smov.u32 s11;
	s12 =	sadd.s32 $0x1, s12  }
0x17: {  	p0 =	sne.s32 s11, $0x33;
	s13 =	sand.u32 $0x1, s13;
	s14 =	sor.u32 $0x1A00, s14  }
0x18: {  	s15 =	sadd.s32 $0x1, s13;
	s13 =	sshll.u32 s13, $0xD;
	[sflag:s3] =	ssyncadd.s32 $0xFFFFE000  }
0x19: {  	[tilespmem:s14], [sflag:s12] =	stream.indirect.gather [hbm4b:s4+s6], $0x40, s9, s6, $0xb8;
	[tilespmem:$0x5A00] =	vst v63  }
.Ltmp0:
0x1a: {  	s14 =	sadd.s32 $0x1, s11;
	_ =	swait.ge [sflag:s15], $0x2000;
	(pc) =	sbr.rel @p0 .LBB2_1-.Ltmp0, $4  }
0x1b: {  	s11 =	sor.u32 $0x1A00, s13;
	[sflag:s15] =	ssyncset.done $0x0  }
0x1c: {  	s9 =	sadd.s32 $0x80, s9;
	s12 =	sand.u32 $0x1, s10;
	[sflag:s15] =	ssyncadd.s32 $0xFFFFE000  }
0x1d: {  	[hbm4b:s8+s2] =	stream.linear.scatter [tilespmem:s11], [sflag:$0x3], $0x2000, $0x38;
	[tilespmem:$0x5A00] =	vst v63  }
0x1e: {  	s8 =	sadd.s32 $0x400, s8;
	s11 =	smov.u32 s14;
	_ =	swait.ge [sflag:s3], $0x2000  }
0x1f: {  	s10 =	sadd.s32 $0xFFFFFFFF, s10;
	s11 =	sshll.u32 s12, $0xD  }
0x20: {  	[sflag:s3] =	ssyncset.done $0x0;
	s23 =	sadd.s32 $0x1, s12;
	s10 =	sand.u32 $0x1, s10  }
0x21: {  	s11 =	sor.u32 $0x1A00, s11;
	[sflag:s3] =	ssyncadd.s32 $0xFFFFE000;
	s13 =	sadd.s32 $0x1, s10  }
0x22: {  	[tilespmem:s11], [sflag:s23] =	stream.indirect.gather [hbm4b:s4+s6], $0x40, s9, s6, $0xb8;
	[tilespmem:$0x5A00] =	vst v63  }
0x23: {  	_ =	swait.ge [sflag:s13], $0x2000  }
0x24: {  	s24 =	sshll.u32 s10, $0xD;
	[sflag:s13] =	ssyncset.done $0x0  }
0x25: {  	s4 =	sor.u32 $0x1A00, s24;
	[sflag:s13] =	ssyncadd.s32 $0xFFFFE000  }
0x26: {  	[hbm4b:s8+s2] =	stream.linear.scatter [tilespmem:s4], [sflag:$0x3], $0x2000, $0x38;
	[tilespmem:$0x5A00] =	vst v63  }
0x27: {  	_ =	swait.ge [sflag:s3], $0x2000  }
0x28: {  	[sflag:s3] =	ssyncset.done $0x0  }
0x29: {  	s25 =	simm.s32 $0x2;
	[sflag:s3] =	ssyncadd.s32 $0xFFFFE000  }
0x2a: {  	s26 =	sshrl.u32 s7, $0x3;
	s29 =	simm.s32 $0x0;
	_ =	swait.ge [sflag:s25], $0x2000  }
0x2b: {  	s30 =	simm.s32 $0x3A00;
	s28 =	sadd.s32 s5, s26;
	[sflag:s25] =	ssyncset.done $0x0  }
0x2c: {  	s31 =	simm.s32 $0x3;
	s2 =	sadd.s32 $0xCC00, s28;
	[sflag:s25] =	ssyncadd.s32 $0xFFFFE000  }
0x2d: {  	[hbm4b:s2+s29] =	stream.linear.scatter [tilespmem:s30], [sflag:$0x3], $0x2000, $0x38;
	[tilespmem:$0x5A00] =	vst v63  }
0x2e: {  	_ =	swait.ge [sflag:s31], $0x2000  }
0x2f: {  	[sflag:s31] =	ssyncset.done $0x0  }
0x30: {  	[sflag:s31] =	ssyncadd.s32 $0xFFFFE000  }
0x31: {  	_ =	sfence.sel $0x180000  }
0x32: {  	[bflag:$0x0] =	sbarrier.arrive $0xFFFF  }
0x33: {  	p0 =	sne.s32 s0, $0x0;
	_ =	strace $0x90000047  }
0x34: {  	s0 =	sadd.s32 @!p0 $0x100000, s1;
	[bflag:$0x2] =	sbarrier.arrive $0xFFFF  }
0x35: {  	[sflag:s0] =	ssyncadd.tile.s32 @!p0 $0x1;
	_ =	shalt  }
.Lfunc_end2:
_tile_overlayer_lowered:
.L_overlay_start_2:
0x36: {  	(tag) =	ssettag $0x2  }
0x37: {  	s0 =	rddreg [dreg:$0x0];
	s2 =	stileid.u32  }
0x38: {  	s1 =	rddreg [dreg:$0x1];
	p0 =	sne.s32 s2, $0x0  }
0x39: {  	s3 =	rddreg [dreg:$0x2];
	[bflag:$0x3] =	sbarrier.arrive $0xFFFF;
	s2 =	simm.s32 @!p0 $0x1C03  }
0x3a: {  	[timem:s3], [sflag:s2] =	dma.local @!p0 [hbm:s0], s1  }
0x3b: {  	s0 =	simm.s32 @!p0 $0x3  }
0x3c: {  	_ =	swait.ge @!p0 [sflag:s0], s1  }
0x3d: {  	s1 =	ssub.s32 @!p0 $0x0, s1;
	[sflag:s0] =	ssyncset.done @!p0 $0x0  }
0x3e: {  	[sflag:s0] =	ssyncadd.s32 @!p0 s1  }
0x3f: {  	[bflag:$0x3] =	sbarrier.arrive $0xFFFF  }
0x40: {  	_ =	shalt  }

</sc_bundles>
